<compile_context>
chip_gen: v7x
topology: tpu7x:2x2x1
jax: 0.10.2.dev20260603
libtpu: 0.0.44.dev20260713+nightly
codegen_flags: <defaults>
</compile_context>

<pallas_src>
import functools

import jax
import jax.numpy as jnp
from jax import lax
from jax.experimental import pallas as pl
from jax.experimental.pallas import tpu as pltpu
from jax.experimental.pallas import tpu_sc as plsc

_NC = 2
_NS = 16
_L = 16
_NW = _NC * _NS


@functools.partial(jax.jit, static_argnames=("n_chunks", "k_rows", "d_model"))
def _sc_gather(idx, table, *, n_chunks, k_rows, d_model):
    b_total = _NW * n_chunks * k_rows
    b_per_w = n_chunks * k_rows
    w_per_batch = idx.shape[1] // b_per_w
    max_row = table.shape[0] - 1
    mesh = plsc.VectorSubcoreMesh(core_axis_name="c", subcore_axis_name="s")

    def body(idx_hbm, tbl_hbm, out_hbm, idx_v, buf0, buf1, sem0, sem1):
        wid = lax.axis_index("s") * _NC + lax.axis_index("c")
        base = wid * b_per_w
        batch = wid // w_per_batch
        off = (wid % w_per_batch) * b_per_w

        pltpu.sync_copy(idx_hbm.at[batch, pl.ds(off, b_per_w)], idx_v)

        @pl.loop(0, n_chunks)
        def _clamp(c):
            sl = pl.ds(c * k_rows, _L)
            v = idx_v[sl]
            idx_v[sl] = jnp.where(v == jnp.int32(-1), jnp.int32(max_row), v)

        bufs = (buf0, buf1)
        sems = (sem0, sem1)

        def chunk_idx(cc):
            return idx_v.at[pl.ds(cc * k_rows, k_rows)]

        for b in range(2):
            pltpu.async_copy(tbl_hbm.at[chunk_idx(b)], bufs[b], sems[b])

        @pl.loop(0, n_chunks - 2, step=2)
        def _main(c):
            for b in range(2):
                cc = c + b
                pltpu.make_async_copy(tbl_hbm.at[chunk_idx(0)], bufs[b], sems[b]).wait()
                pltpu.sync_copy(bufs[b], out_hbm.at[pl.ds(base + cc * k_rows, k_rows)])
                pltpu.async_copy(tbl_hbm.at[chunk_idx(cc + 2)], bufs[b], sems[b])

        for b in range(2):
            cc = n_chunks - 2 + b
            pltpu.make_async_copy(tbl_hbm.at[chunk_idx(0)], bufs[b], sems[b]).wait()
            pltpu.sync_copy(bufs[b], out_hbm.at[pl.ds(base + cc * k_rows, k_rows)])

    run = pl.kernel(
        body,
        out_type=jax.ShapeDtypeStruct((b_total, d_model), jnp.float32),
        mesh=mesh,
        scratch_types=[
            pltpu.VMEM((n_chunks * k_rows,), jnp.int32),
            pltpu.VMEM((k_rows, d_model), jnp.float32),
            pltpu.VMEM((k_rows, d_model), jnp.float32),
            pltpu.SemaphoreType.DMA,
            pltpu.SemaphoreType.DMA,
        ],
    )
    return run(idx, table)


def kernel(indices, pos_encodings):
    d_model = pos_encodings.shape[1]
    b_total = indices.size
    k_rows = _L
    n_chunks = b_total // (_NW * k_rows)
    out = _sc_gather(indices, pos_encodings, n_chunks=n_chunks, k_rows=k_rows, d_model=d_model)
    return out.reshape(indices.shape + (d_model,))

# --- scband reference (transcript-rebuilt; emitter-appended) ---
"""Pipeline reference for scband-learned-positional-encoding-50903952392316 (READ-ONLY COPY).

The authoritative reference and input builder live on the scoring server;
editing this copy changes nothing except your own understanding.
"""

import jax, jax.numpy as jnp
import numpy as np

D_MODEL = 2048
MAX_SEQ_LEN = 4096
BATCH = 4
SEQ_LEN = 4096


def setup_inputs(seed: int = 0) -> dict:
    key = jax.random.key(seed)
    k_idx, k_tab = jax.random.split(key)
    indices = jax.random.randint(k_idx, (BATCH, SEQ_LEN), 0, MAX_SEQ_LEN, dtype=jnp.int32)
    pos_encodings = jax.random.normal(k_tab, (MAX_SEQ_LEN, D_MODEL), dtype=jnp.float32)
    return {"indices": indices, "pos_encodings": pos_encodings}


def reference(indices, pos_encodings):
    # indices[indices == -1] = max_seq_len - 1
    max_seq_len = pos_encodings.shape[0]
    idx = jnp.where(indices == -1, max_seq_len - 1, indices)
    # nn.Embedding lookup -> row gather from the table
    return jnp.take(pos_encodings, idx, axis=0)

if __name__ == "__main__":
    import jax
    _d = setup_inputs()
    print(jax.jit(kernel)(*tuple(_d.values())))

</pallas_src>

<mosaic_0001>
#map = affine_map<(d0, d1) -> (0, 0)>
module attributes {stable_mosaic.version = 14 : i64} {
  func.func @body(%arg0: i32, %arg1: i32, %arg2: memref<4x4096xi32, #tpu.memory_space<hbm>>, %arg3: memref<4096x2048xf32, #tpu.memory_space<hbm>>, %arg4: memref<16384x2048xf32, #tpu.memory_space<hbm>>, %arg5: memref<512xi32, #tpu.memory_space<vmem>>, %arg6: memref<16x2048xf32, #tpu.memory_space<vmem>>, %arg7: memref<16x2048xf32, #tpu.memory_space<vmem>>, %arg8: memref<!tpu.dma_semaphore, #tpu.memory_space<semaphore_mem>>, %arg9: memref<!tpu.dma_semaphore, #tpu.memory_space<semaphore_mem>>) attributes {dimension_semantics = [#tpu.dimension_semantics<core_parallel>, #tpu.dimension_semantics<subcore_parallel>], iteration_bounds = array<i64: 2, 16>, scalar_prefetch = 0 : i64, scratch_operands = 5 : i64, tpu.core_type = #tpu.core_type<sc_vector_subcore>, window_params = [{transform_indices = #map}, {transform_indices = #map}, {transform_indices = #map}]} {
    %mul3A = arith.constant 2 : i32
    %mul3A_0 = arith.muli %arg1, %mul3A : i32
    %add3A = arith.addi %mul3A_0, %arg0 : i32
    %mul3A_1 = arith.constant 512 : i32
    %mul3A_2 = arith.muli %add3A, %mul3A_1 : i32
    %jit3A = arith.constant 8 : i32
    %div3A = arith.divsi %add3A, %jit3A : i32
    %sign3A = arith.constant 0 : i32
    %sign3A_3 = arith.cmpi sgt, %add3A, %sign3A : i32
    %sign3A_4 = arith.extui %sign3A_3 : i1 to i32
    %sign3A_5 = arith.constant 0 : i32
    %sign3A_6 = arith.cmpi slt, %add3A, %sign3A_5 : i32
    %sign3A_7 = arith.extui %sign3A_6 : i1 to i32
    %sign3A_8 = arith.subi %sign3A_4, %sign3A_7 : i32
    %sign3A_9 = arith.constant 0 : i32
    %sign3A_10 = arith.cmpi sgt, %jit3A, %sign3A_9 : i32
    %sign3A_11 = arith.extui %sign3A_10 : i1 to i32
    %sign3A_12 = arith.constant 0 : i32
    %sign3A_13 = arith.cmpi slt, %jit3A, %sign3A_12 : i32
    %sign3A_14 = arith.extui %sign3A_13 : i1 to i32
    %sign3A_15 = arith.subi %sign3A_11, %sign3A_14 : i32
    %ne3A = arith.cmpi ne, %sign3A_8, %sign3A_15 : i32
    %rem3A = arith.remsi %add3A, %jit3A : i32
    %ne3A_16 = arith.constant 0 : i32
    %ne3A_17 = arith.cmpi ne, %rem3A, %ne3A_16 : i32
    %and3A = arith.andi %ne3A, %ne3A_17 : i1
    %sub3A = arith.constant 1 : i32
    %sub3A_18 = arith.subi %div3A, %sub3A : i32
    %select_n3A = arith.select %and3A, %sub3A_18, %div3A : i32
    %jit3A_19 = arith.constant 8 : i32
    %eq3A = arith.constant 0 : i32
    %eq3A_20 = arith.cmpi eq, %jit3A_19, %eq3A : i32
    %jit3A_21 = arith.constant 1 : i32
    %select_n3A_22 = arith.select %eq3A_20, %jit3A_21, %jit3A_19 : i32
    %rem3A_23 = arith.remsi %add3A, %select_n3A_22 : i32
    %ne3A_24 = arith.constant 0 : i32
    %ne3A_25 = arith.cmpi ne, %rem3A_23, %ne3A_24 : i32
    %lt3A = arith.constant 0 : i32
    %lt3A_26 = arith.cmpi slt, %rem3A_23, %lt3A : i32
    %lt3A_27 = arith.constant 0 : i32
    %lt3A_28 = arith.cmpi slt, %select_n3A_22, %lt3A_27 : i32
    %ne3A_29 = arith.xori %lt3A_26, %lt3A_28 : i1
    %and3A_30 = arith.andi %ne3A_29, %ne3A_25 : i1
    %add3A_31 = arith.addi %rem3A_23, %select_n3A_22 : i32
    %select_n3A_32 = arith.select %and3A_30, %add3A_31, %rem3A_23 : i32
    %mul3A_33 = arith.constant 512 : i32
    %mul3A_34 = arith.muli %select_n3A_32, %mul3A_33 : i32
    "tpu.region"() ({
      %run_scoped3A = tpu.sem_alloc : memref<!tpu.dma_semaphore, #tpu.memory_space<semaphore_mem>>
      %dma_start3A_66 = tpu.memref_slice %arg2[%select_n3A, %mul3A_34] : memref<4x4096xi32, #tpu.memory_space<hbm>> -> memref<1x512xi32, #tpu.memory_space<hbm>>
      %dma_start3A_67 = tpu.memref_squeeze %dma_start3A_66 : memref<1x512xi32, #tpu.memory_space<hbm>> -> memref<512xi32, #tpu.memory_space<hbm>>
      %dma_start3A_68 = tpu.memref_slice %arg2[%select_n3A, %mul3A_34] : memref<4x4096xi32, #tpu.memory_space<hbm>> -> memref<1x512xi32, #tpu.memory_space<hbm>>
      %dma_start3A_69 = tpu.memref_squeeze %dma_start3A_68 : memref<1x512xi32, #tpu.memory_space<hbm>> -> memref<512xi32, #tpu.memory_space<hbm>>
      tpu.enqueue_dma source(%dma_start3A_69 : memref<512xi32, #tpu.memory_space<hbm>>) target(%arg5 : memref<512xi32, #tpu.memory_space<vmem>>) target_semaphore(%run_scoped3A : memref<!tpu.dma_semaphore, #tpu.memory_space<semaphore_mem>>)
      %dma_wait3A_70 = tpu.memref_slice %arg2[%select_n3A, %mul3A_34] : memref<4x4096xi32, #tpu.memory_space<hbm>> -> memref<1x512xi32, #tpu.memory_space<hbm>>
      %dma_wait3A_71 = tpu.memref_squeeze %dma_wait3A_70 : memref<1x512xi32, #tpu.memory_space<hbm>> -> memref<512xi32, #tpu.memory_space<hbm>>
      %dma_wait3A_72 = tpu.memref_slice %arg2[%select_n3A, %mul3A_34] : memref<4x4096xi32, #tpu.memory_space<hbm>> -> memref<1x512xi32, #tpu.memory_space<hbm>>
      %dma_wait3A_73 = tpu.memref_squeeze %dma_wait3A_72 : memref<1x512xi32, #tpu.memory_space<hbm>> -> memref<512xi32, #tpu.memory_space<hbm>>
      tpu.wait_dma2 semaphore(%run_scoped3A : memref<!tpu.dma_semaphore, #tpu.memory_space<semaphore_mem>>) src(%dma_wait3A_73 : memref<512xi32, #tpu.memory_space<hbm>>) dst(%arg5 : memref<512xi32, #tpu.memory_space<vmem>>)
      tpu.yield
    }) : () -> ()
    %scan3A = arith.constant 0 : i32
    %scan3A_35 = arith.constant 32 : i32
    %scan3A_36 = arith.addi %scan3A, %scan3A_35 : i32
    %scan3A_37 = arith.constant 1 : i32
    scf.for %scan3A_66 = %scan3A to %scan3A_36 step %scan3A_37  : i32 {
      %mul3A_67 = arith.constant 1 : i32
      %mul3A_68 = arith.muli %scan3A_66, %mul3A_67 : i32
      %add3A_69 = arith.constant 0 : i32
      %add3A_70 = arith.addi %add3A_69, %mul3A_68 : i32
      %mul3A_71 = arith.constant 16 : i32
      %mul3A_72 = arith.muli %add3A_70, %mul3A_71 : i32
      %get3A = arith.index_cast %mul3A_72 : i32 to index
      %get3A_73 = tpu.vector_load %arg5[%get3A] {strides = array<i32>} : memref<512xi32, #tpu.memory_space<vmem>>, vector<16xi32>,
      %get3A_74 = vector.shape_cast %get3A_73 : vector<16xi32> to vector<16xi32>
      %eq3A_75 = arith.constant -1 : i32
      %eq3A_76 = vector.broadcast %eq3A_75 : i32 to vector<16xi32>
      %eq3A_77 = arith.cmpi eq, %get3A_74, %eq3A_76 : vector<16xi32>
      %jit3A_78 = arith.constant 4095 : i32
      %broadcast_in_dim3A = vector.broadcast %jit3A_78 : i32 to vector<16xi32>
      %select_n3A_79 = arith.select %eq3A_77, %broadcast_in_dim3A, %get3A_74 : vector<16xi1>, vector<16xi32>
      %swap3A = arith.index_cast %mul3A_72 : i32 to index
      %swap3A_80 = tpu.vector_load %arg5[%swap3A] {strides = array<i32>} : memref<512xi32, #tpu.memory_space<vmem>>, vector<16xi32>,
      %swap3A_81 = vector.shape_cast %swap3A_80 : vector<16xi32> to vector<16xi32>
      %swap3A_82 = vector.shape_cast %select_n3A_79 : vector<16xi32> to vector<16xi32>
      tpu.vector_store %arg5[%swap3A], %swap3A_82 {strides = array<i32>} : memref<512xi32, #tpu.memory_space<vmem>>, vector<16xi32>,
    }
    %scan3A_38 = arith.constant 32 : i32
    %dma_start3A = arith.constant 0 : i32
    %dma_start3A_39 = tpu.memref_slice %arg5[%dma_start3A] : memref<512xi32, #tpu.memory_space<vmem>> -> memref<16xi32, #tpu.memory_space<vmem>>
    %dma_start3A_40 = arith.constant 0 : i32
    %dma_start3A_41 = arith.constant 0 : i32
    %dma_start3A_42 = tpu.memref_slice %arg3[%dma_start3A_40, %dma_start3A_41] : memref<4096x2048xf32, #tpu.memory_space<hbm>> -> memref<4096x2048xf32, #tpu.memory_space<hbm>>
    tpu.enqueue_indirect_dma source(%dma_start3A_42 : memref<4096x2048xf32, #tpu.memory_space<hbm>>) target(%arg6 : memref<16x2048xf32, #tpu.memory_space<vmem>>) offsets(%dma_start3A_39 : memref<16xi32, #tpu.memory_space<vmem>>) semaphore(%arg8 : memref<!tpu.dma_semaphore, #tpu.memory_space<semaphore_mem>>)
    %dma_start3A_43 = arith.constant 16 : i32
    %dma_start3A_44 = tpu.memref_slice %arg5[%dma_start3A_43] : memref<512xi32, #tpu.memory_space<vmem>> -> memref<16xi32, #tpu.memory_space<vmem>>
    %dma_start3A_45 = arith.constant 0 : i32
    %dma_start3A_46 = arith.constant 0 : i32
    %dma_start3A_47 = tpu.memref_slice %arg3[%dma_start3A_45, %dma_start3A_46] : memref<4096x2048xf32, #tpu.memory_space<hbm>> -> memref<4096x2048xf32, #tpu.memory_space<hbm>>
    tpu.enqueue_indirect_dma source(%dma_start3A_47 : memref<4096x2048xf32, #tpu.memory_space<hbm>>) target(%arg7 : memref<16x2048xf32, #tpu.memory_space<vmem>>) offsets(%dma_start3A_44 : memref<16xi32, #tpu.memory_space<vmem>>) semaphore(%arg9 : memref<!tpu.dma_semaphore, #tpu.memory_space<semaphore_mem>>)
    %scan3A_48 = arith.constant 0 : i32
    %scan3A_49 = arith.constant 15 : i32
    %scan3A_50 = arith.addi %scan3A_48, %scan3A_49 : i32
    %scan3A_51 = arith.constant 1 : i32
    scf.for %scan3A_66 = %scan3A_48 to %scan3A_50 step %scan3A_51  : i32 {
      %mul3A_67 = arith.constant 2 : i32
      %mul3A_68 = arith.muli %scan3A_66, %mul3A_67 : i32
      %add3A_69 = arith.constant 0 : i32
      %add3A_70 = arith.addi %add3A_69, %mul3A_68 : i32
      %add3A_71 = arith.constant 0 : i32
      %add3A_72 = arith.addi %add3A_70, %add3A_71 : i32
      %dma_wait3A_73 = arith.constant 0 : i32
      %dma_wait3A_74 = tpu.memref_slice %arg5[%dma_wait3A_73] : memref<512xi32, #tpu.memory_space<vmem>> -> memref<16xi32, #tpu.memory_space<vmem>>
      %dma_wait3A_75 = arith.constant 0 : i32
      %dma_wait3A_76 = arith.constant 0 : i32
      %dma_wait3A_77 = tpu.memref_slice %arg3[%dma_wait3A_75, %dma_wait3A_76] : memref<4096x2048xf32, #tpu.memory_space<hbm>> -> memref<4096x2048xf32, #tpu.memory_space<hbm>>
      tpu.wait_indirect_dma semaphore(%arg8 : memref<!tpu.dma_semaphore, #tpu.memory_space<semaphore_mem>>) src(%dma_wait3A_77 : memref<4096x2048xf32, #tpu.memory_space<hbm>>) dst(%arg6 : memref<16x2048xf32, #tpu.memory_space<vmem>>)
      %mul3A_78 = arith.constant 16 : i32
      %mul3A_79 = arith.muli %add3A_72, %mul3A_78 : i32
      %add3A_80 = arith.addi %mul3A_2, %mul3A_79 : i32
      "tpu.region"() ({
        %run_scoped3A = tpu.sem_alloc : memref<!tpu.dma_semaphore, #tpu.memory_space<semaphore_mem>>
        %dma_start3A_107 = arith.constant 0 : i32
        %dma_start3A_108 = tpu.memref_slice %arg4[%add3A_80, %dma_start3A_107] : memref<16384x2048xf32, #tpu.memory_space<hbm>> -> memref<16x2048xf32, #tpu.memory_space<hbm>>
        %dma_start3A_109 = arith.constant 0 : i32
        %dma_start3A_110 = tpu.memref_slice %arg4[%add3A_80, %dma_start3A_109] : memref<16384x2048xf32, #tpu.memory_space<hbm>> -> memref<16x2048xf32, #tpu.memory_space<hbm>>
        tpu.enqueue_dma source(%arg6 : memref<16x2048xf32, #tpu.memory_space<vmem>>) target(%dma_start3A_110 : memref<16x2048xf32, #tpu.memory_space<hbm>>) target_semaphore(%run_scoped3A : memref<!tpu.dma_semaphore, #tpu.memory_space<semaphore_mem>>)
        %dma_wait3A_111 = arith.constant 0 : i32
        %dma_wait3A_112 = tpu.memref_slice %arg4[%add3A_80, %dma_wait3A_111] : memref<16384x2048xf32, #tpu.memory_space<hbm>> -> memref<16x2048xf32, #tpu.memory_space<hbm>>
        %dma_wait3A_113 = arith.constant 0 : i32
        %dma_wait3A_114 = tpu.memref_slice %arg4[%add3A_80, %dma_wait3A_113] : memref<16384x2048xf32, #tpu.memory_space<hbm>> -> memref<16x2048xf32, #tpu.memory_space<hbm>>
        tpu.wait_dma2 semaphore(%run_scoped3A : memref<!tpu.dma_semaphore, #tpu.memory_space<semaphore_mem>>) src(%arg6 : memref<16x2048xf32, #tpu.memory_space<vmem>>) dst(%dma_wait3A_114 : memref<16x2048xf32, #tpu.memory_space<hbm>>)
        tpu.yield
      }) : () -> ()
      %add3A_81 = arith.constant 2 : i32
      %add3A_82 = arith.addi %add3A_72, %add3A_81 : i32
      %mul3A_83 = arith.constant 16 : i32
      %mul3A_84 = arith.muli %add3A_82, %mul3A_83 : i32
      %dma_start3A_85 = tpu.memref_slice %arg5[%mul3A_84] : memref<512xi32, #tpu.memory_space<vmem>> -> memref<16xi32, #tpu.memory_space<vmem>>
      %dma_start3A_86 = arith.constant 0 : i32
      %dma_start3A_87 = arith.constant 0 : i32
      %dma_start3A_88 = tpu.memref_slice %arg3[%dma_start3A_86, %dma_start3A_87] : memref<4096x2048xf32, #tpu.memory_space<hbm>> -> memref<4096x2048xf32, #tpu.memory_space<hbm>>
      tpu.enqueue_indirect_dma source(%dma_start3A_88 : memref<4096x2048xf32, #tpu.memory_space<hbm>>) target(%arg6 : memref<16x2048xf32, #tpu.memory_space<vmem>>) offsets(%dma_start3A_85 : memref<16xi32, #tpu.memory_space<vmem>>) semaphore(%arg8 : memref<!tpu.dma_semaphore, #tpu.memory_space<semaphore_mem>>)
      %add3A_89 = arith.constant 1 : i32
      %add3A_90 = arith.addi %add3A_70, %add3A_89 : i32
      %dma_wait3A_91 = arith.constant 0 : i32
      %dma_wait3A_92 = tpu.memref_slice %arg5[%dma_wait3A_91] : memref<512xi32, #tpu.memory_space<vmem>> -> memref<16xi32, #tpu.memory_space<vmem>>
      %dma_wait3A_93 = arith.constant 0 : i32
      %dma_wait3A_94 = arith.constant 0 : i32
      %dma_wait3A_95 = tpu.memref_slice %arg3[%dma_wait3A_93, %dma_wait3A_94] : memref<4096x2048xf32, #tpu.memory_space<hbm>> -> memref<4096x2048xf32, #tpu.memory_space<hbm>>
      tpu.wait_indirect_dma semaphore(%arg9 : memref<!tpu.dma_semaphore, #tpu.memory_space<semaphore_mem>>) src(%dma_wait3A_95 : memref<4096x2048xf32, #tpu.memory_space<hbm>>) dst(%arg7 : memref<16x2048xf32, #tpu.memory_space<vmem>>)
      %mul3A_96 = arith.constant 16 : i32
      %mul3A_97 = arith.muli %add3A_90, %mul3A_96 : i32
      %add3A_98 = arith.addi %mul3A_2, %mul3A_97 : i32
      "tpu.region"() ({
        %run_scoped3A = tpu.sem_alloc : memref<!tpu.dma_semaphore, #tpu.memory_space<semaphore_mem>>
        %dma_start3A_107 = arith.constant 0 : i32
        %dma_start3A_108 = tpu.memref_slice %arg4[%add3A_98, %dma_start3A_107] : memref<16384x2048xf32, #tpu.memory_space<hbm>> -> memref<16x2048xf32, #tpu.memory_space<hbm>>
        %dma_start3A_109 = arith.constant 0 : i32
        %dma_start3A_110 = tpu.memref_slice %arg4[%add3A_98, %dma_start3A_109] : memref<16384x2048xf32, #tpu.memory_space<hbm>> -> memref<16x2048xf32, #tpu.memory_space<hbm>>
        tpu.enqueue_dma source(%arg7 : memref<16x2048xf32, #tpu.memory_space<vmem>>) target(%dma_start3A_110 : memref<16x2048xf32, #tpu.memory_space<hbm>>) target_semaphore(%run_scoped3A : memref<!tpu.dma_semaphore, #tpu.memory_space<semaphore_mem>>)
        %dma_wait3A_111 = arith.constant 0 : i32
        %dma_wait3A_112 = tpu.memref_slice %arg4[%add3A_98, %dma_wait3A_111] : memref<16384x2048xf32, #tpu.memory_space<hbm>> -> memref<16x2048xf32, #tpu.memory_space<hbm>>
        %dma_wait3A_113 = arith.constant 0 : i32
        %dma_wait3A_114 = tpu.memref_slice %arg4[%add3A_98, %dma_wait3A_113] : memref<16384x2048xf32, #tpu.memory_space<hbm>> -> memref<16x2048xf32, #tpu.memory_space<hbm>>
        tpu.wait_dma2 semaphore(%run_scoped3A : memref<!tpu.dma_semaphore, #tpu.memory_space<semaphore_mem>>) src(%arg7 : memref<16x2048xf32, #tpu.memory_space<vmem>>) dst(%dma_wait3A_114 : memref<16x2048xf32, #tpu.memory_space<hbm>>)
        tpu.yield
      }) : () -> ()
      %add3A_99 = arith.constant 2 : i32
      %add3A_100 = arith.addi %add3A_90, %add3A_99 : i32
      %mul3A_101 = arith.constant 16 : i32
      %mul3A_102 = arith.muli %add3A_100, %mul3A_101 : i32
      %dma_start3A_103 = tpu.memref_slice %arg5[%mul3A_102] : memref<512xi32, #tpu.memory_space<vmem>> -> memref<16xi32, #tpu.memory_space<vmem>>
      %dma_start3A_104 = arith.constant 0 : i32
      %dma_start3A_105 = arith.constant 0 : i32
      %dma_start3A_106 = tpu.memref_slice %arg3[%dma_start3A_104, %dma_start3A_105] : memref<4096x2048xf32, #tpu.memory_space<hbm>> -> memref<4096x2048xf32, #tpu.memory_space<hbm>>
      tpu.enqueue_indirect_dma source(%dma_start3A_106 : memref<4096x2048xf32, #tpu.memory_space<hbm>>) target(%arg7 : memref<16x2048xf32, #tpu.memory_space<vmem>>) offsets(%dma_start3A_103 : memref<16xi32, #tpu.memory_space<vmem>>) semaphore(%arg9 : memref<!tpu.dma_semaphore, #tpu.memory_space<semaphore_mem>>)
    }
    %scan3A_52 = arith.constant 15 : i32
    %dma_wait3A = arith.constant 0 : i32
    %dma_wait3A_53 = tpu.memref_slice %arg5[%dma_wait3A] : memref<512xi32, #tpu.memory_space<vmem>> -> memref<16xi32, #tpu.memory_space<vmem>>
    %dma_wait3A_54 = arith.constant 0 : i32
    %dma_wait3A_55 = arith.constant 0 : i32
    %dma_wait3A_56 = tpu.memref_slice %arg3[%dma_wait3A_54, %dma_wait3A_55] : memref<4096x2048xf32, #tpu.memory_space<hbm>> -> memref<4096x2048xf32, #tpu.memory_space<hbm>>
    tpu.wait_indirect_dma semaphore(%arg8 : memref<!tpu.dma_semaphore, #tpu.memory_space<semaphore_mem>>) src(%dma_wait3A_56 : memref<4096x2048xf32, #tpu.memory_space<hbm>>) dst(%arg6 : memref<16x2048xf32, #tpu.memory_space<vmem>>)
    %add3A_57 = arith.constant 480 : i32
    %add3A_58 = arith.addi %mul3A_2, %add3A_57 : i32
    "tpu.region"() ({
      %run_scoped3A = tpu.sem_alloc : memref<!tpu.dma_semaphore, #tpu.memory_space<semaphore_mem>>
      %dma_start3A_66 = arith.constant 0 : i32
      %dma_start3A_67 = tpu.memref_slice %arg4[%add3A_58, %dma_start3A_66] : memref<16384x2048xf32, #tpu.memory_space<hbm>> -> memref<16x2048xf32, #tpu.memory_space<hbm>>
      %dma_start3A_68 = arith.constant 0 : i32
      %dma_start3A_69 = tpu.memref_slice %arg4[%add3A_58, %dma_start3A_68] : memref<16384x2048xf32, #tpu.memory_space<hbm>> -> memref<16x2048xf32, #tpu.memory_space<hbm>>
      tpu.enqueue_dma source(%arg6 : memref<16x2048xf32, #tpu.memory_space<vmem>>) target(%dma_start3A_69 : memref<16x2048xf32, #tpu.memory_space<hbm>>) target_semaphore(%run_scoped3A : memref<!tpu.dma_semaphore, #tpu.memory_space<semaphore_mem>>)
      %dma_wait3A_70 = arith.constant 0 : i32
      %dma_wait3A_71 = tpu.memref_slice %arg4[%add3A_58, %dma_wait3A_70] : memref<16384x2048xf32, #tpu.memory_space<hbm>> -> memref<16x2048xf32, #tpu.memory_space<hbm>>
      %dma_wait3A_72 = arith.constant 0 : i32
      %dma_wait3A_73 = tpu.memref_slice %arg4[%add3A_58, %dma_wait3A_72] : memref<16384x2048xf32, #tpu.memory_space<hbm>> -> memref<16x2048xf32, #tpu.memory_space<hbm>>
      tpu.wait_dma2 semaphore(%run_scoped3A : memref<!tpu.dma_semaphore, #tpu.memory_space<semaphore_mem>>) src(%arg6 : memref<16x2048xf32, #tpu.memory_space<vmem>>) dst(%dma_wait3A_73 : memref<16x2048xf32, #tpu.memory_space<hbm>>)
      tpu.yield
    }) : () -> ()
    %dma_wait3A_59 = arith.constant 0 : i32
    %dma_wait3A_60 = tpu.memref_slice %arg5[%dma_wait3A_59] : memref<512xi32, #tpu.memory_space<vmem>> -> memref<16xi32, #tpu.memory_space<vmem>>
    %dma_wait3A_61 = arith.constant 0 : i32
    %dma_wait3A_62 = arith.constant 0 : i32
    %dma_wait3A_63 = tpu.memref_slice %arg3[%dma_wait3A_61, %dma_wait3A_62] : memref<4096x2048xf32, #tpu.memory_space<hbm>> -> memref<4096x2048xf32, #tpu.memory_space<hbm>>
    tpu.wait_indirect_dma semaphore(%arg9 : memref<!tpu.dma_semaphore, #tpu.memory_space<semaphore_mem>>) src(%dma_wait3A_63 : memref<4096x2048xf32, #tpu.memory_space<hbm>>) dst(%arg7 : memref<16x2048xf32, #tpu.memory_space<vmem>>)
    %add3A_64 = arith.constant 496 : i32
    %add3A_65 = arith.addi %mul3A_2, %add3A_64 : i32
    "tpu.region"() ({
      %run_scoped3A = tpu.sem_alloc : memref<!tpu.dma_semaphore, #tpu.memory_space<semaphore_mem>>
      %dma_start3A_66 = arith.constant 0 : i32
      %dma_start3A_67 = tpu.memref_slice %arg4[%add3A_65, %dma_start3A_66] : memref<16384x2048xf32, #tpu.memory_space<hbm>> -> memref<16x2048xf32, #tpu.memory_space<hbm>>
      %dma_start3A_68 = arith.constant 0 : i32
      %dma_start3A_69 = tpu.memref_slice %arg4[%add3A_65, %dma_start3A_68] : memref<16384x2048xf32, #tpu.memory_space<hbm>> -> memref<16x2048xf32, #tpu.memory_space<hbm>>
      tpu.enqueue_dma source(%arg7 : memref<16x2048xf32, #tpu.memory_space<vmem>>) target(%dma_start3A_69 : memref<16x2048xf32, #tpu.memory_space<hbm>>) target_semaphore(%run_scoped3A : memref<!tpu.dma_semaphore, #tpu.memory_space<semaphore_mem>>)
      %dma_wait3A_70 = arith.constant 0 : i32
      %dma_wait3A_71 = tpu.memref_slice %arg4[%add3A_65, %dma_wait3A_70] : memref<16384x2048xf32, #tpu.memory_space<hbm>> -> memref<16x2048xf32, #tpu.memory_space<hbm>>
      %dma_wait3A_72 = arith.constant 0 : i32
      %dma_wait3A_73 = tpu.memref_slice %arg4[%add3A_65, %dma_wait3A_72] : memref<16384x2048xf32, #tpu.memory_space<hbm>> -> memref<16x2048xf32, #tpu.memory_space<hbm>>
      tpu.wait_dma2 semaphore(%run_scoped3A : memref<!tpu.dma_semaphore, #tpu.memory_space<semaphore_mem>>) src(%arg7 : memref<16x2048xf32, #tpu.memory_space<vmem>>) dst(%dma_wait3A_73 : memref<16x2048xf32, #tpu.memory_space<hbm>>)
      tpu.yield
    }) : () -> ()
    return
  }
}

</mosaic_0001>

<sc_bundles>
// kernel: _sc_gather.3.cloned.1.call-start
scs
__scs_entry_jumppad:
0x0: {  	(pc) =	sbr.rel $0x88, $3  }
0x1: {  	(tag) =	ssettag $0x0;
	lr =	simm.s32 $0x1  }
0x2: {  	[smem:$0x3F9F] =	sst lr;
	_ =	strace $0xD0000000  }
0x3: {  	_ = 	snop  }
0x4: {  	_ = 	snop  }
0x5: {  	_ = 	snop  }
0x6: {  	_ = 	snop  }
0x7: {  	_ = 	snop  }
__scs_overlays_trampoline_lowered:
0x8: {  	[smem:$0x3FAE] =	sst s0  }
0x9: {  	[smem:$0x3FAF] =	sst s1  }
0xa: {  	[smem:$0x3FB0] =	sst s2  }
0xb: {  	[smem:$0x3FB1] =	sst s3  }
0xc: {  	[smem:$0x3FB2] =	sst s4  }
0xd: {  	[smem:$0x3FB3] =	sst s5  }
0xe: {  	[smem:$0x3FB4] =	sst s6  }
0xf: {  	[smem:$0x3FB5] =	sst s7  }
0x10: {  	[smem:$0x3FB6] =	sst s8  }
0x11: {  	[smem:$0x3FB7] =	sst s9;
	s0 =	simm.s32 @!p0 $0x0  }
0x12: {  	s1 =	sld [smem:$0x3F9D];
	s0 =	simm.s32 @p0 $0x1  }
0x13: {  	[smem:$0x3FB8] =	sst s0;
	s0 =	simm.s32 @!p1 $0x0  }
0x14: {  	s2 =	sld [smem:$0x3F9C];
	s0 =	simm.s32 @p1 $0x1  }
0x15: {  	[smem:$0x3FB9] =	sst s0;
	s0 =	simm.s32 @!p2 $0x0  }
0x16: {  	s3 =	sld [smem:$0x3FDB];
	s0 =	simm.s32 @p2 $0x1  }
0x17: {  	s4 =	simm.s32 $0x1BF5;
	[smem:$0x3FBB] =	sst s0  }
0x18: {  	s0 =	sld [smem:$0x3F9E];
	_ =	swait.ge [sflag:s4], $0x0  }
0x19: {  	s7 =	sld [smem:$0x3F9F]  }
0x1a: {  	s8 =	sadd.s32 $0xFFFFE003, lr  }
0x1b: {  	s9 =	sadd.s32 $0xFFFFFEF7, lr;
	s5 =	simm.s32 $0xFFFFFFFF;
	p2 =	slt.u32 s8, $0xFFFFF086  }
0x1c: {  	p1 =	slt.u32 s9, $0xF7A;
	s5 =	simm.s32 @!p2 $0x0  }
0x1d: {  	s5 =	simm.s32 @p1 $0x1;
	p0 =	seq.s32 s7, s2  }
0x1e: {  	s7 =	smul.u32 @!p0 $0xF7A, s2;
	p2 =	seq.s32 @!p0 s5, $0x0  }
0x1f: {  	s9 =	smul.u32 $0xF7A, s1;
	s8 =	simm.s32 @!p0 $0x1BF5;
	p2 =	por !p2, p0  }
0x20: {  	[sflag:s8] =	ssyncset.s32 @!p0 $0xFFFFF086;
	s6 =	sadd.s32 @!p0 s3, s7;
	s7 =	simm.s32 @!p0 $0x108  }
0x21: {  	s3 =	sadd.s32 s3, s9;
	s6 =	sadd.s32 @!p0 $0x88, s6;
	s7 =	simm.s32 @p2 $0x1082  }
0x22: {  	[simem:s7], [sflag:s8] =	dma.local @!p0 [hbm:s6], $0xF7A  }
0x23: {  	s9 =	sor.u32 $0xD0000000, s2;
	s6 =	simm.s32 $0x108;
	_ =	swait.ge @!p0 [sflag:s8], $0x0  }
0x24: {  	s3 =	sadd.s32 $0x88, s3;
	s6 =	simm.s32 @!p1 $0x1082;
	[sflag:s4] =	ssyncset.s32 $0xFFFFF086  }
0x25: {  	[simem:s6], [sflag:s4] =	dma.local [hbm:s3], $0xF7A  }
0x26: {  	[smem:$0x3F9F] =	sst s1;
	(tag) =	ssettag s2;
	_ =	strace s9  }
0x27: {  	s1 =	sld [smem:$0x3FAF]  }
0x28: {  	s2 =	sld [smem:$0x3FB0]  }
0x29: {  	s4 =	sld [smem:$0x3FB2]  }
0x2a: {  	p0 =	seq.s32 s5, $0x0;
	s5 =	sld [smem:$0x3FB3]  }
0x2b: {  	s6 =	sld [smem:$0x3FB4]  }
0x2c: {  	s7 =	sld [smem:$0x3FB5]  }
0x2d: {  	s3 =	simm.s32 $0x108;
	s8 =	sld [smem:$0x3FB6]  }
0x2e: {  	s3 =	simm.s32 @!p0 $0x1082;
	s9 =	sld [smem:$0x3FB7]  }
0x2f: {  	lr =	sadd.s32 s0, s3;
	s0 =	sld [smem:$0x3FAE]  }
0x30: {  	s3 =	sld [smem:$0x3FB1]  }
0x31: {  	[smem:$0x3FBA] =	sst s10  }
0x32: {  	s10 =	sld [smem:$0x3FB8];
	_ =	sdelay $0x3  }
0x33: {  	p0 =	seq.s32 s10, $0x1;
	s10 =	sld [smem:$0x3FBA];
	_ =	sdelay $0x3  }
0x34: {  	[smem:$0x3FBA] =	sst s10  }
0x35: {  	s10 =	sld [smem:$0x3FB9];
	_ =	sdelay $0x3  }
0x36: {  	p1 =	seq.s32 s10, $0x1;
	s10 =	sld [smem:$0x3FBA];
	_ =	sdelay $0x3  }
0x37: {  	[smem:$0x3FBA] =	sst s10  }
0x38: {  	s10 =	sld [smem:$0x3FBB]  }
0x39: {  	_ = 	snop;
	(pc) =	sbr.ind lr, $3  }
0x3a: {  	_ = 	snop  }
0x3b: {  	_ = 	snop  }
0x3c: {  	p2 =	seq.s32 s10, $0x1;
	s10 =	sld [smem:$0x3FBA]  }
0x3d: {  	_ =	shalt  }
0x3e: {  	_ =	shalt  }
0x3f: {  	_ =	shalt  }
0x40: {  	_ =	shalt  }
0x41: {  	_ =	shalt  }
0x42: {  	_ =	shalt  }
0x43: {  	_ =	shalt  }
0x44: {  	_ =	shalt  }
0x45: {  	_ =	shalt  }
0x46: {  	_ =	shalt  }
0x47: {  	_ =	shalt  }
0x48: {  	_ =	shalt  }
0x49: {  	_ =	shalt  }
0x4a: {  	_ =	shalt  }
0x4b: {  	_ =	shalt  }
0x4c: {  	_ =	shalt  }
0x4d: {  	_ =	shalt  }
0x4e: {  	_ =	shalt  }
0x4f: {  	_ =	shalt  }
0x50: {  	_ =	shalt  }
0x51: {  	_ =	shalt  }
0x52: {  	_ =	shalt  }
0x53: {  	_ =	shalt  }
0x54: {  	_ =	shalt  }
0x55: {  	_ =	shalt  }
0x56: {  	_ =	shalt  }
0x57: {  	_ =	shalt  }
0x58: {  	_ =	shalt  }
0x59: {  	_ =	shalt  }
0x5a: {  	_ =	shalt  }
0x5b: {  	_ =	shalt  }
0x5c: {  	_ =	shalt  }
0x5d: {  	_ =	shalt  }
0x5e: {  	_ =	shalt  }
0x5f: {  	_ =	shalt  }
0x60: {  	_ =	shalt  }
0x61: {  	_ =	shalt  }
0x62: {  	_ =	shalt  }
0x63: {  	_ =	shalt  }
0x64: {  	_ =	shalt  }
0x65: {  	_ =	shalt  }
0x66: {  	_ =	shalt  }
0x67: {  	_ =	shalt  }
0x68: {  	_ =	shalt  }
0x69: {  	_ =	shalt  }
0x6a: {  	_ =	shalt  }
0x6b: {  	_ =	shalt  }
0x6c: {  	_ =	shalt  }
0x6d: {  	_ =	shalt  }
0x6e: {  	_ =	shalt  }
0x6f: {  	_ =	shalt  }
0x70: {  	_ =	shalt  }
0x71: {  	_ =	shalt  }
0x72: {  	_ =	shalt  }
0x73: {  	_ =	shalt  }
0x74: {  	_ =	shalt  }
0x75: {  	_ =	shalt  }
0x76: {  	_ =	shalt  }
0x77: {  	_ =	shalt  }
0x78: {  	_ =	shalt  }
0x79: {  	_ =	shalt  }
0x7a: {  	_ =	shalt  }
0x7b: {  	_ =	shalt  }
0x7c: {  	_ =	shalt  }
0x7d: {  	_ =	shalt  }
0x7e: {  	_ =	shalt  }
0x7f: {  	_ =	shalt  }
0x80: {  	_ =	shalt  }
0x81: {  	_ =	shalt  }
0x82: {  	_ =	shalt  }
0x83: {  	_ =	shalt  }
0x84: {  	_ =	shalt  }
0x85: {  	_ =	shalt  }
0x86: {  	_ =	shalt  }
0x87: {  	_ =	shalt  }
.Lfunc_end0:
.L_simem_size_0:
called_computation_lowered:
.L_overlay_start_0:
0x88: {  	s2 =	sld [smem:$0x3FD9]  }
0x89: {  	s3 =	sld [smem:$0x3FFE];
	_ =	sdelay $0x1  }
0x8a: {  	s1 =	srdreg.scid  }
0x8b: {  	s0 =	sand.u32 $0x1, s1  }
0x8c: {  	s18 =	sshll.u32 s0, $0xA;
	s2 =	sadd.s32 s3, s2  }
0x8d: {  	s2 =	sadd.s32 s2, s18  }
0x8e: {  	[smem:$0x3FC6] =	sst s2  }
0x8f: {  	_ = 	snop  }
0x90: {  	s2 =	sld [smem:$0x3FC9]  }
0x91: {  	s19 =	sld [smem:$0x3FC8]  }
0x92: {  	s4 =	sld [smem:$0x3FD0];
	(tm) =	ssettm $0x1  }
0x93: {  	s5 =	sld [smem:$0x3FFB];
	_ =	sdelay $0x3  }
0x94: {  	_ =	strace s5  }
0x95: {  	s5 =	sld [smem:$0x3FFC];
	_ =	sdelay $0x3  }
0x96: {  	_ =	strace s5  }
0x97: {  	s5 =	sld [smem:$0x3FFD];
	_ =	sdelay $0x3  }
0x98: {  	_ =	strace s5  }
0x99: {  	_ =	strace $0x8FFFFFFF  }
0x9a: {  	s20 =	sld [smem:$0x3FDB];
	_ =	sdelay $0x1  }
0x9b: {  	s6 =	simm.s32 $_scs_section_size  }
0x9c: {  	s7 =	simm.s32 $_size__tile_overlayer_lowered;
	s8 =	simm.s32 $_tile_overlayer_lowered  }
0x9d: {  	s23 =	simm.s32 $0x1BFF;
	s22 =	sshll.u32 s8, $0x1;
	s5 =	sadd.s32 s6, s20  }
0x9e: {  	s9 =	simm.s32 $0x0;
	s21 =	sshll.u32 s7, $0x1;
	s7 =	sadd.s32 s22, s5  }
0x9f: {  	[timem:s9], [sflag:s23] =	dma.local [hbm:s7], s21  }
0xa0: {  	_ =	swait.ge [sflag:s23], s21  }
0xa1: {  	s6 =	ssub.s32 $0x0, s21;
	[sflag:s23] =	ssyncset.done $0x0  }
0xa2: {  	[sflag:s23] =	ssyncadd.s32 s6;
	_ =	sdelay $0x1  }
0xa3: {  	s24 =	simm.s32 $0x1B8B  }
0xa4: {  	_ =	swait.ge [sflag:s24], $0x1  }
0xa5: {  	[sflag:s24] =	ssyncset.done $0x0  }
0xa6: {  	s25 =	simm.s32 $0x1B8E;
	[sflag:s24] =	ssyncadd.s32 $0xFFFFFFFF  }
0xa7: {  	s26 =	simm.s32 $execute0_lowered;
	[smem:$0x3FD2] =	sst s25  }
0xa8: {  	s6 =	sshll.u32 s26, $0x1;
	_ =	strace $0x80000046;
	[dreg:$0x1] =	wrdreg $0xFFFFFFFF  }
0xa9: {  	s28 =	simm.s32 $_size_execute0_lowered;
	s5 =	sadd.s32 s5, s6;
	[dreg:$0x0] =	wrdreg $0x0  }
0xaa: {  	s6 =	sshll.u32 s28, $0x1;
	[dreg:$0x2] =	wrdreg s5  }
0xab: {  	[dreg:$0x3] =	wrdreg s6  }
0xac: {  	[dreg:$0x4] =	wrdreg $0xC0  }
0xad: {  	_ =	task [dreg:s9], $0x5FFFF  }
0xae: {  	[dreg:$0x1] =	wrdreg $0xFFFFFFFF  }
0xaf: {  	[dreg:$0x0] =	wrdreg $0x60  }
0xb0: {  	[dreg:$0x2] =	wrdreg s2  }
0xb1: {  	[dreg:$0x3] =	wrdreg s19  }
0xb2: {  	[dreg:$0x4] =	wrdreg s4  }
0xb3: {  	[dreg:$0x5] =	wrdreg $0x9  }
0xb4: {  	_ =	task.clear_ibuf [dreg:s9], $0x6FFFF;
	_ =	strace $0x90000046  }
0xb5: {  	s29 =	simm.s32 $0x9;
	_ =	strace $0x80000048  }
0xb6: {  	_ =	swait.ge [sflag:s29], $0x1  }
0xb7: {  	[sflag:s29] =	ssyncadd.s32 $0xFFFFFFFF  }
0xb8: {  	_ =	strace $0x90000048  }
0xb9: {  	_ =	sfence  }
0xba: {  	s30 =	sld [smem:$0x0];
	_ =	sdelay $0x2  }
0xbb: {  	s31 =	sshll.u32 s1, $0xD;
	s1 =	sshrl.u32 s1, $0x2  }
0xbc: {  	s3 =	sand.u32 $0x4000, s31;
	s1 =	sadd.s32 s1, s30  }
0xbd: {  	s0 =	sor.u32 s3, s0;
	s1 =	sshll.u32 s1, $0x11  }
0xbe: {  	s0 =	sor.u32 s1, s0  }
0xbf: {  	s0 =	sadd.s32 $0x8F2B, s0  }
0xc0: {  	[sflag:s0] =	ssyncadd.remote.s32 $0x1  }
0xc1: {  	_ =	sfence.sel $0xFFFF  }
0xc2: {  	[dreg:$0x0] =	wrdreg $0xFFFFFFFF;
	(pc) =	sbr.abs _section_cstart, $3  }
0xc3: {  	[dreg:$0x1] =	wrdreg $0xFFFFFFFF  }
0xc4: {  	_ =	task.clear_ibuf [dreg:s9], $0x2FFFF;
	_ =	strace $0x9FFFFFFF  }
0xc5: {  	(tm) =	ssettm $0x7FFFFFFF  }
tec
execute0_lowered:
.L_overlay_start_1:
0x0: {  	(tag) =	ssettag $0x1  }
0x1: {  	s0 =	rddreg [dreg:$0x0]  }
0x2: {  	s1 =	rddreg [dreg:$0x1]  }
0x3: {  	s2 =	rddreg [dreg:$0x2];
	s3 =	simm.s32 $0x0  }
0x4: {  	s4 =	srdreg.scid;
	s14 =	stileid.u32;
	s17 =	simm.s32 $0x200  }
0x5: {  	s18 =	simm.s32 $0x3;
	s31 =	simm.s32 $0x1;
	s15 =	simm.s32 $0x1A00  }
0x6: {  	s19 =	simm.s32 $0x2200;
	s28 =	simm.s32 $0x6200;
	s29 =	simm.s32 $0x6A00  }
0x7: {  	s30 =	simm.s32 $0x7200;
	[smem:$0x7FF] =	sst s3;
	s4 =	sand.u32 $0x1, s4  }
0x8: {  	s6 =	sshll.u32 s14, $0x1;
	s8 =	sshll.u32 s14, $0x2;
	s9 =	sadd.s32 $0x500, s1  }
0x9: {  	s10 =	sadd.s32 $0x600, s1;
	s11 =	sadd.s32 $0x700, s1;
	s22 =	sshll.u32 s14, $0x12  }
0xa: {  	_ =	strace $0x80000047;
	s5 =	ssub.s32 $0x2, s4;
	s6 =	sor.u32 s4, s6  }
0xb: {  	s21 =	sand.u32 $0x30, s8;
	s8 =	sadd.s32 $0x400, s1;
	s23 =	sshll.u32 s4, $0x11  }
0xc: {  	s4 =	simm.s32 $0x8200;
	s7 =	sshrl.u32 s5, $0x1;
	s20 =	sshll.u32 s6, $0x8  }
0xd: {  	s13 =	sshll.u32 s6, $0x11;
	s0 =	sadd.s32 s0, s21;
	s6 =	sadd.s32 $0x200, s1  }
0xe: {  	s21 =	simm.s32 $0x3200;
	s12 =	ssub.s32 s5, s7;
	s5 =	sand.u32 $0x700, s20  }
0xf: {  	s7 =	sadd.s32 $0x300, s1;
	s13 =	sadd.s32 s13, s2;
	s0 =	sadd.s32 s5, s0  }
0x10: {  	s20 =	simm.s32 $0x2A00;
	s24 =	sadd.s32 $0x1E000, s13;
	[dreg:$0x4] =	wrdreg s0  }
0x11: {  	s5 =	sadd.s32 $0x100, s1;
	s25 =	sadd.s32 $0x1F000, s13;
	[dreg:$0x5] =	wrdreg s24  }
0x12: {  	s26 =	smax.u32 s12, $0x1;
	s12 =	simm.s32 $0x0;
	[dreg:$0x6] =	wrdreg s25  }
0x13: {  	s13 =	simm.s32 $0x7A00;
	s0 =	sadd.s32 s22, s2;
	[dreg:$0x7] =	wrdreg s26  }
0x14: {  	v2 =	vlaneseq.u32;
	s22 =	simm.s32 $0x3A00;
	s24 =	simm.s32 $0x4A00;
	s0 =	sadd.s32 s23, s0  }
0x15: {  	vm0 =	vmmov $0xffff;
	v1 =	vshrl.u32 v2, $0x3;
	s25 =	simm.s32 $0x5200;
	s26 =	simm.s32 $0x5A00;
	s0 =	sadd.s32 $0x1000, s0  }
0x16: {  	v0 =	vand.u32 $0x7, v2;
	v2 =	vor.u32 $0x8, v2;
	v1 =	vmul.u32 $0x8, v1;
	s23 =	simm.s32 $0x4200;
	[dreg:$0x8] =	wrdreg s0;
	s0 =	simm.s32 $0x2  }
.LBB2_1:
0x17: {  	[dreg:$0x9] =	wrdreg s12  }
0x18: {  	s2 =	rddreg [dreg:$0x4];
	s16 =	simm.s32 $0x80  }
0x19: {  	[tilespmem:s3], [sflag:$0x3] =	stream.strided.gather [hbm4b:s2+s16], $0x200, s17, s16, $0x38;
	[tilespmem:$0x10200] =	vst v63  }
0x1a: {  	_ =	swait.ge [sflag:s18], $0x200  }
0x1b: {  	[sflag:s18] =	ssyncset.done $0x0  }
0x1c: {  	s2 =	simm.s32 $0x0;
	s16 =	simm.s32 $0x40;
	[sflag:s18] =	ssyncadd.s32 $0xFFFFFE00  }
.LBB2_2:
0x1d: {  	p0 =	sne.s32 s16, $0x7C0;
	v3 =	vld [tilespmem:s2+$0x0];
	_ =	sdelay $0x2  }
.Ltmp0:
0x1e: {  	(pc) =	sbr.rel @p0 .LBB2_2-.Ltmp0, $4  }
0x1f: {  	_ = 	snop  }
0x20: {  	vm1 =	veq.s32 v3, $0xFFFFFFFF  }
0x21: {  	v3 =	vsel vm1, $0xFFF, v3  }
0x22: {  	[tilespmem:s2+$0x0] =	vst v3;
	s2 =	sshra.s32 s16, $0x2;
	s16 =	sadd.s32 $0x40, s16  }
0x23: {  	v3 =	vld [tilespmem:s2+$0x0];
	_ =	sdelay $0x4  }
0x24: {  	vm1 =	veq.s32 v3, $0xFFFFFFFF  }
0x25: {  	v3 =	vsel vm1, $0xFFF, v3  }
0x26: {  	[tilespmem:s2+$0x0] =	vst v3  }
0x27: {  	v3 =	vld [tilespmem:$0x0];
	_ =	sdelay $0x4  }
0x28: {  	v4 =	vshll.u32 v3, $0x4  }
0x29: {  	v3 =	vand.u32 $0x7, v3;
	v4 =	vand.u32 $0xFFFFFF80, v4  }
0x2a: {  	v3 =	vor.u32 v3, v4  }
0x2b: {  	v4 =	vperm.xlane v3, v0;
	_ =	sdelay $0x1  }
0x2c: {  	v4 =	vadd.s32 v1, v4;
	_ =	sdelay $0x3  }
0x2d: {  	s2 =	simm.s32 $0x0  }
0x2e: {  	[tilespmem:s17], [sflag:$0x1] =	stream.indirect_vreg.gather [hbm4b:s1+s2], $0x80, v4, vm0, $0xb8;
	[tilespmem:$0x10200] =	vst v63  }
0x2f: {  	s12 =	simm.s32 $0xA00  }
0x30: {  	[tilespmem:s12], [sflag:$0x1] =	stream.indirect_vreg.gather [hbm4b:s5+s2], $0x80, v4, vm0, $0xb8;
	[tilespmem:$0x10200] =	vst v63  }
0x31: {  	s14 =	simm.s32 $0x1200  }
0x32: {  	[tilespmem:s14], [sflag:$0x1] =	stream.indirect_vreg.gather [hbm4b:s6+s2], $0x80, v4, vm0, $0xb8;
	[tilespmem:$0x10200] =	vst v63  }
0x33: {  	_ = 	snop  }
0x34: {  	[tilespmem:s15], [sflag:$0x1] =	stream.indirect_vreg.gather [hbm4b:s7+s2], $0x80, v4, vm0, $0xb8;
	[tilespmem:$0x10200] =	vst v63  }
0x35: {  	_ = 	snop  }
0x36: {  	[tilespmem:s19], [sflag:$0x1] =	stream.indirect_vreg.gather [hbm4b:s8+s2], $0x80, v4, vm0, $0xb8;
	[tilespmem:$0x10200] =	vst v63  }
0x37: {  	v3 =	vperm.xlane v3, v2  }
0x38: {  	[tilespmem:s20], [sflag:$0x1] =	stream.indirect_vreg.gather [hbm4b:s9+s2], $0x80, v4, vm0, $0xb8;
	[tilespmem:$0x10200] =	vst v63  }
0x39: {  	v3 =	vadd.s32 v1, v3  }
0x3a: {  	[tilespmem:s21], [sflag:$0x1] =	stream.indirect_vreg.gather [hbm4b:s10+s2], $0x80, v4, vm0, $0xb8;
	[tilespmem:$0x10200] =	vst v63  }
0x3b: {  	_ = 	snop  }
0x3c: {  	[tilespmem:s22], [sflag:$0x1] =	stream.indirect_vreg.gather [hbm4b:s11+s2], $0x80, v4, vm0, $0xb8;
	[tilespmem:$0x10200] =	vst v63  }
0x3d: {  	_ = 	snop  }
0x3e: {  	[tilespmem:s23], [sflag:$0x1] =	stream.indirect_vreg.gather [hbm4b:s1+s2], $0x80, v3, vm0, $0xb8;
	[tilespmem:$0x10200] =	vst v63  }
0x3f: {  	_ = 	snop  }
0x40: {  	[tilespmem:s24], [sflag:$0x1] =	stream.indirect_vreg.gather [hbm4b:s5+s2], $0x80, v3, vm0, $0xb8;
	[tilespmem:$0x10200] =	vst v63  }
0x41: {  	_ = 	snop  }
0x42: {  	[tilespmem:s25], [sflag:$0x1] =	stream.indirect_vreg.gather [hbm4b:s6+s2], $0x80, v3, vm0, $0xb8;
	[tilespmem:$0x10200] =	vst v63  }
0x43: {  	_ = 	snop  }
0x44: {  	[tilespmem:s26], [sflag:$0x1] =	stream.indirect_vreg.gather [hbm4b:s7+s2], $0x80, v3, vm0, $0xb8;
	[tilespmem:$0x10200] =	vst v63  }
0x45: {  	_ = 	snop  }
0x46: {  	[tilespmem:s28], [sflag:$0x1] =	stream.indirect_vreg.gather [hbm4b:s8+s2], $0x80, v3, vm0, $0xb8;
	[tilespmem:$0x10200] =	vst v63  }
0x47: {  	_ = 	snop  }
0x48: {  	[tilespmem:s29], [sflag:$0x1] =	stream.indirect_vreg.gather [hbm4b:s9+s2], $0x80, v3, vm0, $0xb8;
	[tilespmem:$0x10200] =	vst v63  }
0x49: {  	_ = 	snop  }
0x4a: {  	[tilespmem:s30], [sflag:$0x1] =	stream.indirect_vreg.gather [hbm4b:s10+s2], $0x80, v3, vm0, $0xb8;
	[tilespmem:$0x10200] =	vst v63  }
0x4b: {  	_ = 	snop  }
0x4c: {  	[tilespmem:s13], [sflag:$0x1] =	stream.indirect_vreg.gather [hbm4b:s11+s2], $0x80, v3, vm0, $0xb8;
	[tilespmem:$0x10200] =	vst v63  }
0x4d: {  	v3 =	vld [tilespmem:$0x10];
	_ =	sdelay $0x4  }
0x4e: {  	v63 =	vshll.u32 v3, $0x4  }
0x4f: {  	v3 =	vand.u32 $0x7, v3;
	v4 =	vand.u32 $0xFFFFFF80, v63  }
0x50: {  	v3 =	vor.u32 v3, v4  }
0x51: {  	v4 =	vperm.xlane v3, v0;
	_ =	sdelay $0x1  }
0x52: {  	v4 =	vadd.s32 v1, v4;
	_ =	sdelay $0x4  }
0x53: {  	[tilespmem:s4], [sflag:$0x2] =	stream.indirect_vreg.gather [hbm4b:s1+s2], $0x80, v4, vm0, $0xb8;
	[tilespmem:$0x10200] =	vst v63  }
0x54: {  	s16 =	simm.s32 $0x8A00  }
0x55: {  	[tilespmem:s16], [sflag:$0x2] =	stream.indirect_vreg.gather [hbm4b:s5+s2], $0x80, v4, vm0, $0xb8;
	[tilespmem:$0x10200] =	vst v63  }
0x56: {  	s14 =	simm.s32 $0x9200  }
0x57: {  	[tilespmem:s14], [sflag:$0x2] =	stream.indirect_vreg.gather [hbm4b:s6+s2], $0x80, v4, vm0, $0xb8;
	[tilespmem:$0x10200] =	vst v63  }
0x58: {  	s16 =	simm.s32 $0x9A00  }
0x59: {  	[tilespmem:s16], [sflag:$0x2] =	stream.indirect_vreg.gather [hbm4b:s7+s2], $0x80, v4, vm0, $0xb8;
	[tilespmem:$0x10200] =	vst v63  }
0x5a: {  	s14 =	simm.s32 $0xA200  }
0x5b: {  	[tilespmem:s14], [sflag:$0x2] =	stream.indirect_vreg.gather [hbm4b:s8+s2], $0x80, v4, vm0, $0xb8;
	[tilespmem:$0x10200] =	vst v63  }
0x5c: {  	v3 =	vperm.xlane v3, v2;
	s16 =	simm.s32 $0xAA00  }
0x5d: {  	[tilespmem:s16], [sflag:$0x2] =	stream.indirect_vreg.gather [hbm4b:s9+s2], $0x80, v4, vm0, $0xb8;
	[tilespmem:$0x10200] =	vst v63  }
0x5e: {  	v3 =	vadd.s32 v1, v3;
	s14 =	simm.s32 $0xB200  }
0x5f: {  	[tilespmem:s14], [sflag:$0x2] =	stream.indirect_vreg.gather [hbm4b:s10+s2], $0x80, v4, vm0, $0xb8;
	[tilespmem:$0x10200] =	vst v63  }
0x60: {  	s16 =	simm.s32 $0xBA00  }
0x61: {  	[tilespmem:s16], [sflag:$0x2] =	stream.indirect_vreg.gather [hbm4b:s11+s2], $0x80, v4, vm0, $0xb8;
	[tilespmem:$0x10200] =	vst v63  }
0x62: {  	s14 =	simm.s32 $0xC200  }
0x63: {  	[tilespmem:s14], [sflag:$0x2] =	stream.indirect_vreg.gather [hbm4b:s1+s2], $0x80, v3, vm0, $0xb8;
	[tilespmem:$0x10200] =	vst v63  }
0x64: {  	s16 =	simm.s32 $0xCA00  }
0x65: {  	[tilespmem:s16], [sflag:$0x2] =	stream.indirect_vreg.gather [hbm4b:s5+s2], $0x80, v3, vm0, $0xb8;
	[tilespmem:$0x10200] =	vst v63  }
0x66: {  	s14 =	simm.s32 $0xD200  }
0x67: {  	[tilespmem:s14], [sflag:$0x2] =	stream.indirect_vreg.gather [hbm4b:s6+s2], $0x80, v3, vm0, $0xb8;
	[tilespmem:$0x10200] =	vst v63  }
0x68: {  	s16 =	simm.s32 $0xDA00  }
0x69: {  	[tilespmem:s16], [sflag:$0x2] =	stream.indirect_vreg.gather [hbm4b:s7+s2], $0x80, v3, vm0, $0xb8;
	[tilespmem:$0x10200] =	vst v63  }
0x6a: {  	s14 =	simm.s32 $0xE200  }
0x6b: {  	[tilespmem:s14], [sflag:$0x2] =	stream.indirect_vreg.gather [hbm4b:s8+s2], $0x80, v3, vm0, $0xb8;
	[tilespmem:$0x10200] =	vst v63  }
0x6c: {  	s16 =	simm.s32 $0xEA00  }
0x6d: {  	[tilespmem:s16], [sflag:$0x2] =	stream.indirect_vreg.gather [hbm4b:s9+s2], $0x80, v3, vm0, $0xb8;
	[tilespmem:$0x10200] =	vst v63  }
0x6e: {  	s14 =	simm.s32 $0xF200  }
0x6f: {  	[tilespmem:s14], [sflag:$0x2] =	stream.indirect_vreg.gather [hbm4b:s10+s2], $0x80, v3, vm0, $0xb8;
	[tilespmem:$0x10200] =	vst v63  }
0x70: {  	s16 =	simm.s32 $0xFA00  }
0x71: {  	[tilespmem:s16], [sflag:$0x2] =	stream.indirect_vreg.gather [hbm4b:s11+s2], $0x80, v3, vm0, $0xb8;
	[tilespmem:$0x10200] =	vst v63  }
0x72: {  	s16 =	rddreg [dreg:$0x8]  }
.LBB2_4:
0x73: {  	_ =	swait.ge [sflag:s31], $0x8000  }
0x74: {  	[sflag:s31] =	ssyncset.done $0x0  }
0x75: {  	s12 =	sadd.s32 $0xFFFFF000, s16;
	[sflag:s31] =	ssyncadd.s32 $0xFFFF8000  }
0x76: {  	[hbm4b:s12+s3] =	stream.linear.scatter [tilespmem:s17], [sflag:$0x3], $0x8000, $0x38;
	[tilespmem:$0x10200] =	vst v63  }
0x77: {  	_ =	swait.ge [sflag:s18], $0x8000  }
0x78: {  	[sflag:s18] =	ssyncset.done $0x0  }
0x79: {  	s12 =	sshra.s32 s2, $0x2;
	[sflag:s18] =	ssyncadd.s32 $0xFFFF8000  }
0x7a: {  	v3 =	vld [tilespmem:s12+$0x20];
	_ =	sdelay $0x4  }
0x7b: {  	v4 =	vshll.u32 v3, $0x4  }
0x7c: {  	v3 =	vand.u32 $0x7, v3;
	v4 =	vand.u32 $0xFFFFFF80, v4  }
0x7d: {  	v3 =	vor.u32 v3, v4  }
0x7e: {  	v4 =	vperm.xlane v3, v0;
	_ =	sdelay $0x1  }
0x7f: {  	v4 =	vadd.s32 v1, v4;
	_ =	sdelay $0x4  }
0x80: {  	[tilespmem:s17], [sflag:$0x1] =	stream.indirect_vreg.gather [hbm4b:s1+s3], $0x80, v4, vm0, $0xb8;
	[tilespmem:$0x10200] =	vst v63  }
0x81: {  	s14 =	simm.s32 $0xA00  }
0x82: {  	[tilespmem:s14], [sflag:$0x1] =	stream.indirect_vreg.gather [hbm4b:s5+s3], $0x80, v4, vm0, $0xb8;
	[tilespmem:$0x10200] =	vst v63  }
0x83: {  	s14 =	simm.s32 $0x1200  }
0x84: {  	[tilespmem:s14], [sflag:$0x1] =	stream.indirect_vreg.gather [hbm4b:s6+s3], $0x80, v4, vm0, $0xb8;
	[tilespmem:$0x10200] =	vst v63  }
0x85: {  	_ = 	snop  }
0x86: {  	[tilespmem:s15], [sflag:$0x1] =	stream.indirect_vreg.gather [hbm4b:s7+s3], $0x80, v4, vm0, $0xb8;
	[tilespmem:$0x10200] =	vst v63  }
0x87: {  	_ = 	snop  }
0x88: {  	[tilespmem:s19], [sflag:$0x1] =	stream.indirect_vreg.gather [hbm4b:s8+s3], $0x80, v4, vm0, $0xb8;
	[tilespmem:$0x10200] =	vst v63  }
0x89: {  	v3 =	vperm.xlane v3, v2  }
0x8a: {  	[tilespmem:s20], [sflag:$0x1] =	stream.indirect_vreg.gather [hbm4b:s9+s3], $0x80, v4, vm0, $0xb8;
	[tilespmem:$0x10200] =	vst v63  }
0x8b: {  	v3 =	vadd.s32 v1, v3  }
0x8c: {  	[tilespmem:s21], [sflag:$0x1] =	stream.indirect_vreg.gather [hbm4b:s10+s3], $0x80, v4, vm0, $0xb8;
	[tilespmem:$0x10200] =	vst v63  }
0x8d: {  	_ = 	snop  }
0x8e: {  	[tilespmem:s22], [sflag:$0x1] =	stream.indirect_vreg.gather [hbm4b:s11+s3], $0x80, v4, vm0, $0xb8;
	[tilespmem:$0x10200] =	vst v63  }
0x8f: {  	_ = 	snop  }
0x90: {  	[tilespmem:s23], [sflag:$0x1] =	stream.indirect_vreg.gather [hbm4b:s1+s3], $0x80, v3, vm0, $0xb8;
	[tilespmem:$0x10200] =	vst v63  }
0x91: {  	_ = 	snop  }
0x92: {  	[tilespmem:s24], [sflag:$0x1] =	stream.indirect_vreg.gather [hbm4b:s5+s3], $0x80, v3, vm0, $0xb8;
	[tilespmem:$0x10200] =	vst v63  }
0x93: {  	_ = 	snop  }
0x94: {  	[tilespmem:s25], [sflag:$0x1] =	stream.indirect_vreg.gather [hbm4b:s6+s3], $0x80, v3, vm0, $0xb8;
	[tilespmem:$0x10200] =	vst v63  }
0x95: {  	_ = 	snop  }
0x96: {  	[tilespmem:s26], [sflag:$0x1] =	stream.indirect_vreg.gather [hbm4b:s7+s3], $0x80, v3, vm0, $0xb8;
	[tilespmem:$0x10200] =	vst v63  }
0x97: {  	_ = 	snop  }
0x98: {  	[tilespmem:s28], [sflag:$0x1] =	stream.indirect_vreg.gather [hbm4b:s8+s3], $0x80, v3, vm0, $0xb8;
	[tilespmem:$0x10200] =	vst v63  }
0x99: {  	_ = 	snop  }
0x9a: {  	[tilespmem:s29], [sflag:$0x1] =	stream.indirect_vreg.gather [hbm4b:s9+s3], $0x80, v3, vm0, $0xb8;
	[tilespmem:$0x10200] =	vst v63  }
0x9b: {  	_ = 	snop  }
0x9c: {  	[tilespmem:s30], [sflag:$0x1] =	stream.indirect_vreg.gather [hbm4b:s10+s3], $0x80, v3, vm0, $0xb8;
	[tilespmem:$0x10200] =	vst v63  }
0x9d: {  	_ = 	snop  }
0x9e: {  	[tilespmem:s13], [sflag:$0x1] =	stream.indirect_vreg.gather [hbm4b:s11+s3], $0x80, v3, vm0, $0xb8;
	[tilespmem:$0x10200] =	vst v63  }
0x9f: {  	_ =	swait.ge [sflag:s0], $0x8000  }
0xa0: {  	[sflag:s0] =	ssyncset.done $0x0  }
0xa1: {  	[sflag:s0] =	ssyncadd.s32 $0xFFFF8000  }
0xa2: {  	[hbm4b:s16+s3] =	stream.linear.scatter [tilespmem:s4], [sflag:$0x3], $0x8000, $0x38;
	[tilespmem:$0x10200] =	vst v63  }
0xa3: {  	_ =	swait.ge [sflag:s18], $0x8000  }
0xa4: {  	[sflag:s18] =	ssyncset.done $0x0  }
0xa5: {  	[sflag:s18] =	ssyncadd.s32 $0xFFFF8000  }
0xa6: {  	v3 =	vld [tilespmem:s12+$0x30];
	_ =	sdelay $0x4  }
0xa7: {  	v63 =	vshll.u32 v3, $0x4  }
0xa8: {  	v3 =	vand.u32 $0x7, v3;
	v4 =	vand.u32 $0xFFFFFF80, v63  }
0xa9: {  	v3 =	vor.u32 v3, v4  }
0xaa: {  	v4 =	vperm.xlane v3, v0;
	_ =	sdelay $0x1  }
0xab: {  	v4 =	vadd.s32 v1, v4;
	_ =	sdelay $0x4  }
0xac: {  	[tilespmem:s4], [sflag:$0x2] =	stream.indirect_vreg.gather [hbm4b:s1+s3], $0x80, v4, vm0, $0xb8;
	[tilespmem:$0x10200] =	vst v63  }
0xad: {  	s14 =	simm.s32 $0x8A00  }
0xae: {  	[tilespmem:s14], [sflag:$0x2] =	stream.indirect_vreg.gather [hbm4b:s5+s3], $0x80, v4, vm0, $0xb8;
	[tilespmem:$0x10200] =	vst v63  }
0xaf: {  	s14 =	simm.s32 $0x9200  }
0xb0: {  	[tilespmem:s14], [sflag:$0x2] =	stream.indirect_vreg.gather [hbm4b:s6+s3], $0x80, v4, vm0, $0xb8;
	[tilespmem:$0x10200] =	vst v63  }
0xb1: {  	s14 =	simm.s32 $0x9A00  }
0xb2: {  	[tilespmem:s14], [sflag:$0x2] =	stream.indirect_vreg.gather [hbm4b:s7+s3], $0x80, v4, vm0, $0xb8;
	[tilespmem:$0x10200] =	vst v63  }
0xb3: {  	s14 =	simm.s32 $0xA200  }
0xb4: {  	[tilespmem:s14], [sflag:$0x2] =	stream.indirect_vreg.gather [hbm4b:s8+s3], $0x80, v4, vm0, $0xb8;
	[tilespmem:$0x10200] =	vst v63  }
0xb5: {  	v3 =	vperm.xlane v3, v2;
	s14 =	simm.s32 $0xAA00  }
0xb6: {  	[tilespmem:s14], [sflag:$0x2] =	stream.indirect_vreg.gather [hbm4b:s9+s3], $0x80, v4, vm0, $0xb8;
	[tilespmem:$0x10200] =	vst v63  }
0xb7: {  	v3 =	vadd.s32 v1, v3;
	s14 =	simm.s32 $0xB200  }
0xb8: {  	[tilespmem:s14], [sflag:$0x2] =	stream.indirect_vreg.gather [hbm4b:s10+s3], $0x80, v4, vm0, $0xb8;
	[tilespmem:$0x10200] =	vst v63  }
0xb9: {  	s14 =	simm.s32 $0xBA00  }
0xba: {  	[tilespmem:s14], [sflag:$0x2] =	stream.indirect_vreg.gather [hbm4b:s11+s3], $0x80, v4, vm0, $0xb8;
	[tilespmem:$0x10200] =	vst v63  }
0xbb: {  	s14 =	simm.s32 $0xC200  }
0xbc: {  	[tilespmem:s14], [sflag:$0x2] =	stream.indirect_vreg.gather [hbm4b:s1+s3], $0x80, v3, vm0, $0xb8;
	[tilespmem:$0x10200] =	vst v63  }
0xbd: {  	s14 =	simm.s32 $0xCA00  }
0xbe: {  	[tilespmem:s14], [sflag:$0x2] =	stream.indirect_vreg.gather [hbm4b:s5+s3], $0x80, v3, vm0, $0xb8;
	[tilespmem:$0x10200] =	vst v63  }
0xbf: {  	s14 =	simm.s32 $0xD200  }
0xc0: {  	[tilespmem:s14], [sflag:$0x2] =	stream.indirect_vreg.gather [hbm4b:s6+s3], $0x80, v3, vm0, $0xb8;
	[tilespmem:$0x10200] =	vst v63  }
0xc1: {  	s14 =	simm.s32 $0xDA00  }
0xc2: {  	[tilespmem:s14], [sflag:$0x2] =	stream.indirect_vreg.gather [hbm4b:s7+s3], $0x80, v3, vm0, $0xb8;
	[tilespmem:$0x10200] =	vst v63  }
0xc3: {  	s14 =	simm.s32 $0xE200  }
0xc4: {  	[tilespmem:s14], [sflag:$0x2] =	stream.indirect_vreg.gather [hbm4b:s8+s3], $0x80, v3, vm0, $0xb8;
	[tilespmem:$0x10200] =	vst v63  }
0xc5: {  	p0 =	sne.s32 s2, $0x700;
	s14 =	simm.s32 $0xEA00  }
0xc6: {  	[tilespmem:s14], [sflag:$0x2] =	stream.indirect_vreg.gather [hbm4b:s9+s3], $0x80, v3, vm0, $0xb8;
	[tilespmem:$0x10200] =	vst v63  }
.Ltmp1:
0xc7: {  	_ = 	snop;
	(pc) =	sbr.rel @p0 .LBB2_4-.Ltmp1, $4  }
0xc8: {  	s14 =	simm.s32 $0xF200  }
0xc9: {  	[tilespmem:s14], [sflag:$0x2] =	stream.indirect_vreg.gather [hbm4b:s10+s3], $0x80, v3, vm0, $0xb8;
	[tilespmem:$0x10200] =	vst v63  }
0xca: {  	s2 =	sadd.s32 $0x80, s2;
	s16 =	sadd.s32 $0x2000, s16;
	s14 =	simm.s32 $0xFA00  }
0xcb: {  	[tilespmem:s14], [sflag:$0x2] =	stream.indirect_vreg.gather [hbm4b:s11+s3], $0x80, v3, vm0, $0xb8;
	[tilespmem:$0x10200] =	vst v63  }
0xcc: {  	_ =	swait.ge [sflag:s31], $0x8000  }
0xcd: {  	[sflag:s31] =	ssyncset.done $0x0  }
0xce: {  	s2 =	rddreg [dreg:$0x5];
	[sflag:s31] =	ssyncadd.s32 $0xFFFF8000  }
0xcf: {  	[hbm4b:s2+s3] =	stream.linear.scatter [tilespmem:s17], [sflag:$0x3], $0x8000, $0x38;
	[tilespmem:$0x10200] =	vst v63  }
0xd0: {  	_ =	swait.ge [sflag:s18], $0x8000  }
0xd1: {  	[sflag:s18] =	ssyncset.done $0x0  }
0xd2: {  	[sflag:s18] =	ssyncadd.s32 $0xFFFF8000  }
0xd3: {  	_ =	swait.ge [sflag:s0], $0x8000  }
0xd4: {  	[sflag:s0] =	ssyncset.done $0x0  }
0xd5: {  	s14 =	rddreg [dreg:$0x6];
	[sflag:s0] =	ssyncadd.s32 $0xFFFF8000  }
0xd6: {  	[hbm4b:s14+s3] =	stream.linear.scatter [tilespmem:s4], [sflag:$0x3], $0x8000, $0x38;
	[tilespmem:$0x10200] =	vst v63  }
0xd7: {  	_ =	swait.ge [sflag:s18], $0x8000  }
0xd8: {  	s12 =	rddreg [dreg:$0x9]  }
0xd9: {  	s16 =	rddreg [dreg:$0x7];
	s12 =	sadd.s32 $0x1, s12  }
0xda: {  	p0 =	sne.s32 s12, s16  }
.Ltmp2:
0xdb: {  	_ = 	snop;
	(pc) =	sbr.rel @p0 .LBB2_1-.Ltmp2, $3  }
0xdc: {  	_ =	sdelay $0x1  }
0xdd: {  	[sflag:s18] =	ssyncset.done $0x0  }
0xde: {  	[sflag:s18] =	ssyncadd.s32 $0xFFFF8000  }
0xdf: {  	_ =	sfence.sel $0x180000  }
0xe0: {  	[bflag:$0x0] =	sbarrier.arrive $0xFFFF  }
0xe1: {  	_ =	strace $0x90000047  }
0xe2: {  	s0 =	stileid.u32;
	[bflag:$0x2] =	sbarrier.arrive $0xFFFF  }
0xe3: {  	p0 =	sne.s32 s0, $0x0;
	s0 =	rddreg [dreg:$0x3]  }
0xe4: {  	s0 =	sadd.s32 @!p0 $0x100000, s0  }
0xe5: {  	[sflag:s0] =	ssyncadd.tile.s32 @!p0 $0x1;
	_ =	shalt  }
.Lfunc_end2:
_tile_overlayer_lowered:
.L_overlay_start_2:
0xe6: {  	(tag) =	ssettag $0x2  }
0xe7: {  	s0 =	rddreg [dreg:$0x0];
	s2 =	stileid.u32  }
0xe8: {  	s1 =	rddreg [dreg:$0x1];
	p0 =	sne.s32 s2, $0x0  }
0xe9: {  	s3 =	rddreg [dreg:$0x2];
	[bflag:$0x3] =	sbarrier.arrive $0xFFFF;
	s2 =	simm.s32 @!p0 $0x1C03  }
0xea: {  	[timem:s3], [sflag:s2] =	dma.local @!p0 [hbm:s0], s1  }
0xeb: {  	s0 =	simm.s32 @!p0 $0x3  }
0xec: {  	_ =	swait.ge @!p0 [sflag:s0], s1  }
0xed: {  	s1 =	ssub.s32 @!p0 $0x0, s1;
	[sflag:s0] =	ssyncset.done @!p0 $0x0  }
0xee: {  	[sflag:s0] =	ssyncadd.s32 @!p0 s1  }
0xef: {  	[bflag:$0x3] =	sbarrier.arrive $0xFFFF  }
0xf0: {  	_ =	shalt  }

</sc_bundles>
